<compile_context>
chip_gen: v7x
topology: tpu7x:2x2x1
jax: 0.10.2.dev20260603
libtpu: 0.0.44.dev20260713+nightly
codegen_flags: <defaults>
</compile_context>

<pallas_src>
import functools

import jax
import jax.numpy as jnp
from jax import lax
from jax.experimental import pallas as pl
from jax.experimental.pallas import tpu as pltpu
from jax.experimental.pallas import tpu_sc as plsc

_B = 16384
_C = 1000
_NW = 32
_RW = _B // _NW
_CR = 32
_NCHUNK = _RW // _CR


def _sc_body(sav_hbm, act_hbm, q_hbm, out_hbm, act_v, q_v, buf):
    wid = lax.axis_index("s") * 2 + lax.axis_index("c")
    base = wid * _RW
    pltpu.sync_copy(act_hbm.at[pl.ds(base, _RW)], act_v)
    pltpu.sync_copy(q_hbm.at[pl.ds(base, _RW)], q_v)

    def chunk(t, carry):
        r0 = base + t * _CR
        pltpu.sync_copy(sav_hbm.at[pl.ds(r0, _CR)], buf)
        for g in range(_CR // 16):
            off = t * _CR + g * 16
            rows = lax.iota(jnp.int32, 16) + g * 16
            cols = act_v[pl.ds(off, 16)]
            vals = q_v[pl.ds(off, 16)]
            plsc.store_scatter(buf, [rows, cols], vals)
        pltpu.sync_copy(buf, out_hbm.at[pl.ds(r0, _CR)])
        return carry

    lax.fori_loop(0, _NCHUNK, chunk, 0)


@functools.partial(jax.jit, static_argnames=())
def _sc_call(sav, act, q):
    mesh = plsc.VectorSubcoreMesh(
        core_axis_name="c", subcore_axis_name="s", num_cores=2, num_subcores=16
    )
    return pl.kernel(
        _sc_body,
        out_type=jax.ShapeDtypeStruct((_B, _C), jnp.float32),
        mesh=mesh,
        scratch_types=[
            pltpu.VMEM((_RW,), jnp.int32),
            pltpu.VMEM((_RW,), jnp.float32),
            pltpu.VMEM((_CR, _C), jnp.float32),
        ],
        compiler_params=pltpu.CompilerParams(needs_layout_passes=False),
    )(sav, act, q)


def kernel(state_action_values, action, q_prime):
    act = action.reshape(_B).astype(jnp.int32)
    return _sc_call(state_action_values, act, q_prime)

# --- scband reference (transcript-rebuilt; emitter-appended) ---
"""Pipeline reference for scband-bellman-layer-12378095747421 (READ-ONLY COPY).

The authoritative reference and input builder live on the scoring server;
editing this copy changes nothing except your own understanding.
"""

import jax, jax.numpy as jnp
import numpy as np


def setup_inputs(seed: int = 0) -> dict:
    key = jax.random.key(seed)
    k1, k2, k3 = jax.random.split(key, 3)
    state_action_values = jax.random.normal(k1, (16384, 1000), dtype=jnp.float32)
    action = jax.random.randint(k2, (16384, 1), 0, 1000, dtype=jnp.int32)
    q_prime = jax.random.normal(k3, (16384,), dtype=jnp.float32)
    return {
        "state_action_values": state_action_values,
        "action": action,
        "q_prime": q_prime,
    }


def reference(state_action_values, action, q_prime):
    # action: [B, 1] int -> cols: [B]
    cols = jnp.squeeze(action.astype(jnp.int32), axis=1)
    rows = jnp.arange(state_action_values.shape[0], dtype=jnp.int32)
    # tensor_scatter_nd_update equivalent: scatter-overwrite at (rows, cols)
    out = state_action_values.at[rows, cols].set(q_prime)
    return out

if __name__ == "__main__":
    import jax
    _d = setup_inputs()
    print(jax.jit(kernel)(*tuple(_d.values())))

</pallas_src>

<mosaic_0001>
#map = affine_map<(d0, d1) -> (0, 0)>
#map1 = affine_map<(d0, d1) -> (0)>
module attributes {stable_mosaic.version = 14 : i64} {
  func.func @_sc_body(%arg0: i32, %arg1: i32, %arg2: memref<16384x1000xf32, #tpu.memory_space<hbm>>, %arg3: memref<16384xi32, #tpu.memory_space<hbm>>, %arg4: memref<16384xf32, #tpu.memory_space<hbm>>, %arg5: memref<16384x1000xf32, #tpu.memory_space<hbm>>, %arg6: memref<512xi32, #tpu.memory_space<vmem>>, %arg7: memref<512xf32, #tpu.memory_space<vmem>>, %arg8: memref<32x1000xf32, #tpu.memory_space<vmem>>) attributes {dimension_semantics = [#tpu.dimension_semantics<core_parallel>, #tpu.dimension_semantics<subcore_parallel>], iteration_bounds = array<i64: 2, 16>, scalar_prefetch = 0 : i64, scratch_operands = 3 : i64, tpu.core_type = #tpu.core_type<sc_vector_subcore>, window_params = [{transform_indices = #map}, {transform_indices = #map1}, {transform_indices = #map1}, {transform_indices = #map}]} {
    %mul3A = arith.constant 2 : i32
    %mul3A_0 = arith.muli %arg1, %mul3A : i32
    %add3A = arith.addi %mul3A_0, %arg0 : i32
    %mul3A_1 = arith.constant 512 : i32
    %mul3A_2 = arith.muli %add3A, %mul3A_1 : i32
    "tpu.region"() ({
      %run_scoped3A = tpu.sem_alloc : memref<!tpu.dma_semaphore, #tpu.memory_space<semaphore_mem>>
      %dma_start3A = tpu.memref_slice %arg3[%mul3A_2] : memref<16384xi32, #tpu.memory_space<hbm>> -> memref<512xi32, #tpu.memory_space<hbm>>
      %dma_start3A_8 = tpu.memref_slice %arg3[%mul3A_2] : memref<16384xi32, #tpu.memory_space<hbm>> -> memref<512xi32, #tpu.memory_space<hbm>>
      tpu.enqueue_dma source(%dma_start3A_8 : memref<512xi32, #tpu.memory_space<hbm>>) target(%arg6 : memref<512xi32, #tpu.memory_space<vmem>>) target_semaphore(%run_scoped3A : memref<!tpu.dma_semaphore, #tpu.memory_space<semaphore_mem>>)
      %dma_wait3A = tpu.memref_slice %arg3[%mul3A_2] : memref<16384xi32, #tpu.memory_space<hbm>> -> memref<512xi32, #tpu.memory_space<hbm>>
      %dma_wait3A_9 = tpu.memref_slice %arg3[%mul3A_2] : memref<16384xi32, #tpu.memory_space<hbm>> -> memref<512xi32, #tpu.memory_space<hbm>>
      tpu.wait_dma2 semaphore(%run_scoped3A : memref<!tpu.dma_semaphore, #tpu.memory_space<semaphore_mem>>) src(%dma_wait3A_9 : memref<512xi32, #tpu.memory_space<hbm>>) dst(%arg6 : memref<512xi32, #tpu.memory_space<vmem>>)
      tpu.yield
    }) : () -> ()
    "tpu.region"() ({
      %run_scoped3A = tpu.sem_alloc : memref<!tpu.dma_semaphore, #tpu.memory_space<semaphore_mem>>
      %dma_start3A = tpu.memref_slice %arg4[%mul3A_2] : memref<16384xf32, #tpu.memory_space<hbm>> -> memref<512xf32, #tpu.memory_space<hbm>>
      %dma_start3A_8 = tpu.memref_slice %arg4[%mul3A_2] : memref<16384xf32, #tpu.memory_space<hbm>> -> memref<512xf32, #tpu.memory_space<hbm>>
      tpu.enqueue_dma source(%dma_start3A_8 : memref<512xf32, #tpu.memory_space<hbm>>) target(%arg7 : memref<512xf32, #tpu.memory_space<vmem>>) target_semaphore(%run_scoped3A : memref<!tpu.dma_semaphore, #tpu.memory_space<semaphore_mem>>)
      %dma_wait3A = tpu.memref_slice %arg4[%mul3A_2] : memref<16384xf32, #tpu.memory_space<hbm>> -> memref<512xf32, #tpu.memory_space<hbm>>
      %dma_wait3A_9 = tpu.memref_slice %arg4[%mul3A_2] : memref<16384xf32, #tpu.memory_space<hbm>> -> memref<512xf32, #tpu.memory_space<hbm>>
      tpu.wait_dma2 semaphore(%run_scoped3A : memref<!tpu.dma_semaphore, #tpu.memory_space<semaphore_mem>>) src(%dma_wait3A_9 : memref<512xf32, #tpu.memory_space<hbm>>) dst(%arg7 : memref<512xf32, #tpu.memory_space<vmem>>)
      tpu.yield
    }) : () -> ()
    %scan3A = arith.constant 0 : i32
    %scan3A_3 = arith.constant 0 : i32
    %scan3A_4 = arith.constant 16 : i32
    %scan3A_5 = arith.addi %scan3A_3, %scan3A_4 : i32
    %scan3A_6 = arith.constant 1 : i32
    scf.for %scan3A_8 = %scan3A_3 to %scan3A_5 step %scan3A_6  : i32 {
      %mul3A_9 = arith.constant 32 : i32
      %mul3A_10 = arith.muli %scan3A_8, %mul3A_9 : i32
      %add3A_11 = arith.addi %mul3A_2, %mul3A_10 : i32
      "tpu.region"() ({
        %run_scoped3A = tpu.sem_alloc : memref<!tpu.dma_semaphore, #tpu.memory_space<semaphore_mem>>
        %dma_start3A = arith.constant 0 : i32
        %dma_start3A_34 = tpu.memref_slice %arg2[%add3A_11, %dma_start3A] : memref<16384x1000xf32, #tpu.memory_space<hbm>> -> memref<32x1000xf32, #tpu.memory_space<hbm>>
        %dma_start3A_35 = arith.constant 0 : i32
        %dma_start3A_36 = tpu.memref_slice %arg2[%add3A_11, %dma_start3A_35] : memref<16384x1000xf32, #tpu.memory_space<hbm>> -> memref<32x1000xf32, #tpu.memory_space<hbm>>
        tpu.enqueue_dma source(%dma_start3A_36 : memref<32x1000xf32, #tpu.memory_space<hbm>>) target(%arg8 : memref<32x1000xf32, #tpu.memory_space<vmem>>) target_semaphore(%run_scoped3A : memref<!tpu.dma_semaphore, #tpu.memory_space<semaphore_mem>>)
        %dma_wait3A = arith.constant 0 : i32
        %dma_wait3A_37 = tpu.memref_slice %arg2[%add3A_11, %dma_wait3A] : memref<16384x1000xf32, #tpu.memory_space<hbm>> -> memref<32x1000xf32, #tpu.memory_space<hbm>>
        %dma_wait3A_38 = arith.constant 0 : i32
        %dma_wait3A_39 = tpu.memref_slice %arg2[%add3A_11, %dma_wait3A_38] : memref<16384x1000xf32, #tpu.memory_space<hbm>> -> memref<32x1000xf32, #tpu.memory_space<hbm>>
        tpu.wait_dma2 semaphore(%run_scoped3A : memref<!tpu.dma_semaphore, #tpu.memory_space<semaphore_mem>>) src(%dma_wait3A_39 : memref<32x1000xf32, #tpu.memory_space<hbm>>) dst(%arg8 : memref<32x1000xf32, #tpu.memory_space<vmem>>)
        tpu.yield
      }) : () -> ()
      %mul3A_12 = arith.constant 32 : i32
      %mul3A_13 = arith.muli %scan3A_8, %mul3A_12 : i32
      %add3A_14 = arith.constant 0 : i32
      %add3A_15 = arith.addi %mul3A_13, %add3A_14 : i32
      %iota3A = tpu.iota {dimensions = array<i32: 0>} : vector<16xi32>
      %add3A_16 = arith.constant 0 : i32
      %add3A_17 = vector.broadcast %add3A_16 : i32 to vector<16xi32>
      %add3A_18 = arith.addi %iota3A, %add3A_17 : vector<16xi32>
      %get3A = arith.index_cast %add3A_15 : i32 to index
      %get3A_19 = tpu.vector_load %arg6[%get3A] {strides = array<i32>} : memref<512xi32, #tpu.memory_space<vmem>>, vector<16xi32>,
      %get3A_20 = arith.index_cast %add3A_15 : i32 to index
      %get3A_21 = tpu.vector_load %arg7[%get3A_20] {strides = array<i32>} : memref<512xf32, #tpu.memory_space<vmem>>, vector<16xf32>,
      tpu.vector_store_idx %arg8[%add3A_18, %get3A_19], %get3A_21 : memref<32x1000xf32, #tpu.memory_space<vmem>>[vector<16xi32>, vector<16xi32>], vector<16xf32>,
      %mul3A_22 = arith.constant 32 : i32
      %mul3A_23 = arith.muli %scan3A_8, %mul3A_22 : i32
      %add3A_24 = arith.constant 16 : i32
      %add3A_25 = arith.addi %mul3A_23, %add3A_24 : i32
      %iota3A_26 = tpu.iota {dimensions = array<i32: 0>} : vector<16xi32>
      %add3A_27 = arith.constant 16 : i32
      %add3A_28 = vector.broadcast %add3A_27 : i32 to vector<16xi32>
      %add3A_29 = arith.addi %iota3A_26, %add3A_28 : vector<16xi32>
      %get3A_30 = arith.index_cast %add3A_25 : i32 to index
      %get3A_31 = tpu.vector_load %arg6[%get3A_30] {strides = array<i32>} : memref<512xi32, #tpu.memory_space<vmem>>, vector<16xi32>,
      %get3A_32 = arith.index_cast %add3A_25 : i32 to index
      %get3A_33 = tpu.vector_load %arg7[%get3A_32] {strides = array<i32>} : memref<512xf32, #tpu.memory_space<vmem>>, vector<16xf32>,
      tpu.vector_store_idx %arg8[%add3A_29, %get3A_31], %get3A_33 : memref<32x1000xf32, #tpu.memory_space<vmem>>[vector<16xi32>, vector<16xi32>], vector<16xf32>,
      "tpu.region"() ({
        %run_scoped3A = tpu.sem_alloc : memref<!tpu.dma_semaphore, #tpu.memory_space<semaphore_mem>>
        %dma_start3A = arith.constant 0 : i32
        %dma_start3A_34 = tpu.memref_slice %arg5[%add3A_11, %dma_start3A] : memref<16384x1000xf32, #tpu.memory_space<hbm>> -> memref<32x1000xf32, #tpu.memory_space<hbm>>
        %dma_start3A_35 = arith.constant 0 : i32
        %dma_start3A_36 = tpu.memref_slice %arg5[%add3A_11, %dma_start3A_35] : memref<16384x1000xf32, #tpu.memory_space<hbm>> -> memref<32x1000xf32, #tpu.memory_space<hbm>>
        tpu.enqueue_dma source(%arg8 : memref<32x1000xf32, #tpu.memory_space<vmem>>) target(%dma_start3A_36 : memref<32x1000xf32, #tpu.memory_space<hbm>>) target_semaphore(%run_scoped3A : memref<!tpu.dma_semaphore, #tpu.memory_space<semaphore_mem>>)
        %dma_wait3A = arith.constant 0 : i32
        %dma_wait3A_37 = tpu.memref_slice %arg5[%add3A_11, %dma_wait3A] : memref<16384x1000xf32, #tpu.memory_space<hbm>> -> memref<32x1000xf32, #tpu.memory_space<hbm>>
        %dma_wait3A_38 = arith.constant 0 : i32
        %dma_wait3A_39 = tpu.memref_slice %arg5[%add3A_11, %dma_wait3A_38] : memref<16384x1000xf32, #tpu.memory_space<hbm>> -> memref<32x1000xf32, #tpu.memory_space<hbm>>
        tpu.wait_dma2 semaphore(%run_scoped3A : memref<!tpu.dma_semaphore, #tpu.memory_space<semaphore_mem>>) src(%arg8 : memref<32x1000xf32, #tpu.memory_space<vmem>>) dst(%dma_wait3A_39 : memref<32x1000xf32, #tpu.memory_space<hbm>>)
        tpu.yield
      }) : () -> ()
    }
    %scan3A_7 = arith.constant 16 : i32
    return
  }
}

</mosaic_0001>

<sc_bundles>
// kernel: _sc_call.3.cloned.1.call-start
scs
__scs_entry_jumppad:
0x0: {  	(pc) =	sbr.rel $0x88, $3  }
0x1: {  	(tag) =	ssettag $0x0;
	lr =	simm.s32 $0x1  }
0x2: {  	[smem:$0x3F9E] =	sst lr;
	_ =	strace $0xD0000000  }
0x3: {  	_ = 	snop  }
0x4: {  	_ = 	snop  }
0x5: {  	_ = 	snop  }
0x6: {  	_ = 	snop  }
0x7: {  	_ = 	snop  }
__scs_overlays_trampoline_lowered:
0x8: {  	[smem:$0x3FAD] =	sst s0  }
0x9: {  	[smem:$0x3FAE] =	sst s1  }
0xa: {  	[smem:$0x3FAF] =	sst s2  }
0xb: {  	[smem:$0x3FB0] =	sst s3  }
0xc: {  	[smem:$0x3FB1] =	sst s4  }
0xd: {  	[smem:$0x3FB2] =	sst s5  }
0xe: {  	[smem:$0x3FB3] =	sst s6  }
0xf: {  	[smem:$0x3FB4] =	sst s7  }
0x10: {  	[smem:$0x3FB5] =	sst s8  }
0x11: {  	[smem:$0x3FB6] =	sst s9;
	s0 =	simm.s32 @!p0 $0x0  }
0x12: {  	s1 =	sld [smem:$0x3F9C];
	s0 =	simm.s32 @p0 $0x1  }
0x13: {  	[smem:$0x3FB7] =	sst s0;
	s0 =	simm.s32 @!p1 $0x0  }
0x14: {  	s2 =	sld [smem:$0x3F9B];
	s0 =	simm.s32 @p1 $0x1  }
0x15: {  	[smem:$0x3FB8] =	sst s0;
	s0 =	simm.s32 @!p2 $0x0  }
0x16: {  	s3 =	sld [smem:$0x3FDB];
	s0 =	simm.s32 @p2 $0x1  }
0x17: {  	s4 =	simm.s32 $0x1BF5;
	[smem:$0x3FBA] =	sst s0  }
0x18: {  	s0 =	sld [smem:$0x3F9D];
	_ =	swait.ge [sflag:s4], $0x0  }
0x19: {  	s7 =	sld [smem:$0x3F9E]  }
0x1a: {  	s8 =	sadd.s32 $0xFFFFE003, lr  }
0x1b: {  	s9 =	sadd.s32 $0xFFFFFEF7, lr;
	s5 =	simm.s32 $0xFFFFFFFF;
	p2 =	slt.u32 s8, $0xFFFFF086  }
0x1c: {  	p1 =	slt.u32 s9, $0xF7A;
	s5 =	simm.s32 @!p2 $0x0  }
0x1d: {  	s5 =	simm.s32 @p1 $0x1;
	p0 =	seq.s32 s7, s2  }
0x1e: {  	s7 =	smul.u32 @!p0 $0xF7A, s2;
	p2 =	seq.s32 @!p0 s5, $0x0  }
0x1f: {  	s9 =	smul.u32 $0xF7A, s1;
	s8 =	simm.s32 @!p0 $0x1BF5;
	p2 =	por !p2, p0  }
0x20: {  	[sflag:s8] =	ssyncset.s32 @!p0 $0xFFFFF086;
	s6 =	sadd.s32 @!p0 s3, s7;
	s7 =	simm.s32 @!p0 $0x108  }
0x21: {  	s3 =	sadd.s32 s3, s9;
	s6 =	sadd.s32 @!p0 $0x88, s6;
	s7 =	simm.s32 @p2 $0x1082  }
0x22: {  	[simem:s7], [sflag:s8] =	dma.local @!p0 [hbm:s6], $0xF7A  }
0x23: {  	s9 =	sor.u32 $0xD0000000, s2;
	s6 =	simm.s32 $0x108;
	_ =	swait.ge @!p0 [sflag:s8], $0x0  }
0x24: {  	s3 =	sadd.s32 $0x88, s3;
	s6 =	simm.s32 @!p1 $0x1082;
	[sflag:s4] =	ssyncset.s32 $0xFFFFF086  }
0x25: {  	[simem:s6], [sflag:s4] =	dma.local [hbm:s3], $0xF7A  }
0x26: {  	[smem:$0x3F9E] =	sst s1;
	(tag) =	ssettag s2;
	_ =	strace s9  }
0x27: {  	s1 =	sld [smem:$0x3FAE]  }
0x28: {  	s2 =	sld [smem:$0x3FAF]  }
0x29: {  	s4 =	sld [smem:$0x3FB1]  }
0x2a: {  	p0 =	seq.s32 s5, $0x0;
	s5 =	sld [smem:$0x3FB2]  }
0x2b: {  	s6 =	sld [smem:$0x3FB3]  }
0x2c: {  	s7 =	sld [smem:$0x3FB4]  }
0x2d: {  	s3 =	simm.s32 $0x108;
	s8 =	sld [smem:$0x3FB5]  }
0x2e: {  	s3 =	simm.s32 @!p0 $0x1082;
	s9 =	sld [smem:$0x3FB6]  }
0x2f: {  	lr =	sadd.s32 s0, s3;
	s0 =	sld [smem:$0x3FAD]  }
0x30: {  	s3 =	sld [smem:$0x3FB0]  }
0x31: {  	[smem:$0x3FB9] =	sst s10  }
0x32: {  	s10 =	sld [smem:$0x3FB7];
	_ =	sdelay $0x3  }
0x33: {  	p0 =	seq.s32 s10, $0x1;
	s10 =	sld [smem:$0x3FB9];
	_ =	sdelay $0x3  }
0x34: {  	[smem:$0x3FB9] =	sst s10  }
0x35: {  	s10 =	sld [smem:$0x3FB8];
	_ =	sdelay $0x3  }
0x36: {  	p1 =	seq.s32 s10, $0x1;
	s10 =	sld [smem:$0x3FB9];
	_ =	sdelay $0x3  }
0x37: {  	[smem:$0x3FB9] =	sst s10  }
0x38: {  	s10 =	sld [smem:$0x3FBA]  }
0x39: {  	_ = 	snop;
	(pc) =	sbr.ind lr, $3  }
0x3a: {  	_ = 	snop  }
0x3b: {  	_ = 	snop  }
0x3c: {  	p2 =	seq.s32 s10, $0x1;
	s10 =	sld [smem:$0x3FB9]  }
0x3d: {  	_ =	shalt  }
0x3e: {  	_ =	shalt  }
0x3f: {  	_ =	shalt  }
0x40: {  	_ =	shalt  }
0x41: {  	_ =	shalt  }
0x42: {  	_ =	shalt  }
0x43: {  	_ =	shalt  }
0x44: {  	_ =	shalt  }
0x45: {  	_ =	shalt  }
0x46: {  	_ =	shalt  }
0x47: {  	_ =	shalt  }
0x48: {  	_ =	shalt  }
0x49: {  	_ =	shalt  }
0x4a: {  	_ =	shalt  }
0x4b: {  	_ =	shalt  }
0x4c: {  	_ =	shalt  }
0x4d: {  	_ =	shalt  }
0x4e: {  	_ =	shalt  }
0x4f: {  	_ =	shalt  }
0x50: {  	_ =	shalt  }
0x51: {  	_ =	shalt  }
0x52: {  	_ =	shalt  }
0x53: {  	_ =	shalt  }
0x54: {  	_ =	shalt  }
0x55: {  	_ =	shalt  }
0x56: {  	_ =	shalt  }
0x57: {  	_ =	shalt  }
0x58: {  	_ =	shalt  }
0x59: {  	_ =	shalt  }
0x5a: {  	_ =	shalt  }
0x5b: {  	_ =	shalt  }
0x5c: {  	_ =	shalt  }
0x5d: {  	_ =	shalt  }
0x5e: {  	_ =	shalt  }
0x5f: {  	_ =	shalt  }
0x60: {  	_ =	shalt  }
0x61: {  	_ =	shalt  }
0x62: {  	_ =	shalt  }
0x63: {  	_ =	shalt  }
0x64: {  	_ =	shalt  }
0x65: {  	_ =	shalt  }
0x66: {  	_ =	shalt  }
0x67: {  	_ =	shalt  }
0x68: {  	_ =	shalt  }
0x69: {  	_ =	shalt  }
0x6a: {  	_ =	shalt  }
0x6b: {  	_ =	shalt  }
0x6c: {  	_ =	shalt  }
0x6d: {  	_ =	shalt  }
0x6e: {  	_ =	shalt  }
0x6f: {  	_ =	shalt  }
0x70: {  	_ =	shalt  }
0x71: {  	_ =	shalt  }
0x72: {  	_ =	shalt  }
0x73: {  	_ =	shalt  }
0x74: {  	_ =	shalt  }
0x75: {  	_ =	shalt  }
0x76: {  	_ =	shalt  }
0x77: {  	_ =	shalt  }
0x78: {  	_ =	shalt  }
0x79: {  	_ =	shalt  }
0x7a: {  	_ =	shalt  }
0x7b: {  	_ =	shalt  }
0x7c: {  	_ =	shalt  }
0x7d: {  	_ =	shalt  }
0x7e: {  	_ =	shalt  }
0x7f: {  	_ =	shalt  }
0x80: {  	_ =	shalt  }
0x81: {  	_ =	shalt  }
0x82: {  	_ =	shalt  }
0x83: {  	_ =	shalt  }
0x84: {  	_ =	shalt  }
0x85: {  	_ =	shalt  }
0x86: {  	_ =	shalt  }
0x87: {  	_ =	shalt  }
.Lfunc_end0:
.L_simem_size_0:
called_computation_lowered:
.L_overlay_start_0:
0x88: {  	s2 =	sld [smem:$0x3FD9]  }
0x89: {  	s3 =	sld [smem:$0x3FFE];
	_ =	sdelay $0x1  }
0x8a: {  	s1 =	srdreg.scid  }
0x8b: {  	s0 =	sand.u32 $0x1, s1  }
0x8c: {  	s17 =	sshll.u32 s0, $0xA;
	s2 =	sadd.s32 s3, s2  }
0x8d: {  	s2 =	sadd.s32 s2, s17  }
0x8e: {  	[smem:$0x3FC5] =	sst s2  }
0x8f: {  	_ = 	snop  }
0x90: {  	s2 =	sld [smem:$0x3FC8]  }
0x91: {  	s18 =	sld [smem:$0x3FC7];
	(tm) =	ssettm $0x1  }
0x92: {  	s4 =	sld [smem:$0x3FFB];
	_ =	sdelay $0x3  }
0x93: {  	_ =	strace s4  }
0x94: {  	s4 =	sld [smem:$0x3FFC];
	_ =	sdelay $0x3  }
0x95: {  	_ =	strace s4  }
0x96: {  	s4 =	sld [smem:$0x3FFD];
	_ =	sdelay $0x3  }
0x97: {  	_ =	strace s4  }
0x98: {  	_ =	strace $0x8FFFFFFF  }
0x99: {  	s19 =	sld [smem:$0x3FDB];
	_ =	sdelay $0x1  }
0x9a: {  	s5 =	simm.s32 $_scs_section_size  }
0x9b: {  	s6 =	simm.s32 $_size__tile_overlayer_lowered;
	s7 =	simm.s32 $_tile_overlayer_lowered  }
0x9c: {  	s22 =	simm.s32 $0x1BFF;
	s21 =	sshll.u32 s7, $0x1;
	s4 =	sadd.s32 s5, s19  }
0x9d: {  	s8 =	simm.s32 $0x0;
	s20 =	sshll.u32 s6, $0x1;
	s6 =	sadd.s32 s21, s4  }
0x9e: {  	[timem:s8], [sflag:s22] =	dma.local [hbm:s6], s20  }
0x9f: {  	_ =	swait.ge [sflag:s22], s20  }
0xa0: {  	s5 =	ssub.s32 $0x0, s20;
	[sflag:s22] =	ssyncset.done $0x0  }
0xa1: {  	[sflag:s22] =	ssyncadd.s32 s5;
	_ =	sdelay $0x1  }
0xa2: {  	s23 =	simm.s32 $0x1B8B  }
0xa3: {  	_ =	swait.ge [sflag:s23], $0x1  }
0xa4: {  	[sflag:s23] =	ssyncset.done $0x0  }
0xa5: {  	s25 =	simm.s32 $0x1B8E;
	s24 =	sld [smem:$0x3FFE];
	[sflag:s23] =	ssyncadd.s32 $0xFFFFFFFF  }
0xa6: {  	s26 =	simm.s32 $execute0_lowered;
	[smem:$0x3FD2] =	sst s25  }
0xa7: {  	s6 =	sshll.u32 s26, $0x1;
	_ =	strace $0x80000046;
	[dreg:$0x1] =	wrdreg $0xFFFFFFFF  }
0xa8: {  	s28 =	simm.s32 $_size_execute0_lowered;
	s4 =	sadd.s32 s4, s6;
	[dreg:$0x0] =	wrdreg $0x0  }
0xa9: {  	s6 =	sshll.u32 s28, $0x1;
	[dreg:$0x2] =	wrdreg s4  }
0xaa: {  	[dreg:$0x3] =	wrdreg s6  }
0xab: {  	[dreg:$0x4] =	wrdreg $0xC0  }
0xac: {  	_ =	task [dreg:s8], $0x5FFFF  }
0xad: {  	[dreg:$0x1] =	wrdreg $0xFFFFFFFF  }
0xae: {  	[dreg:$0x0] =	wrdreg $0x60  }
0xaf: {  	[dreg:$0x2] =	wrdreg s24  }
0xb0: {  	[dreg:$0x3] =	wrdreg s2  }
0xb1: {  	[dreg:$0x4] =	wrdreg s18  }
0xb2: {  	[dreg:$0x5] =	wrdreg $0x9  }
0xb3: {  	_ =	task.clear_ibuf [dreg:s8], $0x6FFFF;
	_ =	strace $0x90000046  }
0xb4: {  	s29 =	simm.s32 $0x9;
	_ =	strace $0x80000048  }
0xb5: {  	_ =	swait.ge [sflag:s29], $0x1  }
0xb6: {  	[sflag:s29] =	ssyncadd.s32 $0xFFFFFFFF  }
0xb7: {  	_ =	strace $0x90000048  }
0xb8: {  	_ =	sfence  }
0xb9: {  	s30 =	sld [smem:$0x0];
	_ =	sdelay $0x2  }
0xba: {  	s31 =	sshll.u32 s1, $0xD;
	s1 =	sshrl.u32 s1, $0x2  }
0xbb: {  	s3 =	sand.u32 $0x4000, s31;
	s1 =	sadd.s32 s1, s30  }
0xbc: {  	s0 =	sor.u32 s3, s0;
	s1 =	sshll.u32 s1, $0x11  }
0xbd: {  	s0 =	sor.u32 s1, s0  }
0xbe: {  	s0 =	sadd.s32 $0x8F2B, s0  }
0xbf: {  	[sflag:s0] =	ssyncadd.remote.s32 $0x1  }
0xc0: {  	_ =	sfence.sel $0xFFFF  }
0xc1: {  	[dreg:$0x0] =	wrdreg $0xFFFFFFFF;
	(pc) =	sbr.abs _section_cstart, $3  }
0xc2: {  	[dreg:$0x1] =	wrdreg $0xFFFFFFFF  }
0xc3: {  	_ =	task.clear_ibuf [dreg:s8], $0x2FFFF;
	_ =	strace $0x9FFFFFFF  }
0xc4: {  	(tm) =	ssettm $0x7FFFFFFF  }
0xc5: {  	_ =	shalt  }
tec
execute0_lowered:
.L_overlay_start_1:
0x0: {  	(tag) =	ssettag $0x1  }
0x1: {  	v0 =	vimm.s32 $0x2380;
	vm0 =	vcmask $0x300;
	v1 =	vimm.s32 $0x6380  }
0x2: {  	vm1 =	vcmask $0x704;
	v0 =	vsel vm0, $0x0, v0;
	v1 =	vsel vm0, $0x4000, v1  }
0x3: {  	vm15 =	vcmask $0xB08;
	v0 =	vsel vm1, $0x80, v0;
	v1 =	vsel vm1, $0x4080, v1  }
0x4: {  	vm4 =	vcmask $0xF0C;
	v0 =	vsel vm15, $0x100, v0;
	v1 =	vsel vm15, $0x4100, v1  }
0x5: {  	s3 =	rddreg [dreg:$0x0];
	vm5 =	vcmask $0x1310;
	v0 =	vsel vm4, $0x180, v0;
	v1 =	vsel vm4, $0x4180, v1  }
0x6: {  	s4 =	rddreg [dreg:$0x1];
	vm6 =	vcmask $0x1714;
	v0 =	vsel vm5, $0x200, v0;
	v1 =	vsel vm5, $0x4200, v1  }
0x7: {  	s5 =	rddreg [dreg:$0x2];
	vm7 =	vcmask $0x1B18;
	v0 =	vsel vm6, $0x280, v0;
	v1 =	vsel vm6, $0x4280, v1  }
0x8: {  	s0 =	rddreg [dreg:$0x3];
	s1 =	simm.s32 $0x0;
	s6 =	srdreg.scid;
	vm8 =	vcmask $0x1F1C;
	v0 =	vsel vm7, $0x300, v0;
	v1 =	vsel vm7, $0x4300, v1  }
0x9: {  	s2 =	stileid.u32;
	vm9 =	vcmask $0x2320;
	s11 =	simm.s32 $0x0;
	[smem:$0x7FF] =	sst s1;
	v0 =	vsel vm8, $0x380, v0;
	v1 =	vsel vm8, $0x4380, v1  }
0xa: {  	vm10 =	vcmask $0x2724;
	s6 =	sand.u32 $0x1, s6;
	s7 =	sshll.u32 s2, $0xA;
	s9 =	sshll.u32 s2, $0x11;
	v0 =	vsel vm9, $0x2000, v0;
	v1 =	vsel vm9, $0x6000, v1  }
0xb: {  	vm11 =	vcmask $0x2B28;
	_ =	strace $0x80000047;
	s8 =	sshll.u32 s6, $0x9;
	s10 =	ssub.s32 $0x2, s6;
	v0 =	vsel vm10, $0x2080, v0;
	v1 =	vsel vm10, $0x6080, v1  }
0xc: {  	vm12 =	vcmask $0x2F2C;
	s28 =	sadd.s32 s9, s3;
	s6 =	sshll.u32 s6, $0x10;
	s9 =	simm.s32 $0x200;
	v0 =	vsel vm11, $0x2100, v0;
	v1 =	vsel vm11, $0x6100, v1  }
0xd: {  	vm13 =	vcmask $0x3330;
	s7 =	sor.u32 s8, s7;
	s29 =	sshrl.u32 s10, $0x1;
	s31 =	sadd.s32 s6, s28;
	v0 =	vsel vm12, $0x2180, v0;
	v1 =	vsel vm12, $0x6180, v1  }
0xe: {  	vm14 =	vcmask $0x3734;
	s8 =	simm.s32 $0x1;
	s7 =	sshrl.u32 s7, $0x3;
	s30 =	ssub.s32 s10, s29;
	v0 =	vsel vm13, $0x2200, v0;
	v1 =	vsel vm13, $0x6200, v1  }
0xf: {  	vm15 =	vcmask $0x3B38;
	s6 =	sadd.s32 $0x400, s31;
	s10 =	simm.s32 $0x400;
	s3 =	sadd.s32 s4, s7;
	v0 =	vsel vm14, $0x2280, v0;
	v1 =	vsel vm14, $0x6280, v1  }
0x10: {  	s4 =	sadd.s32 s5, s7;
	s5 =	smax.u32 s30, $0x1;
	s7 =	sadd.s32 $0x200400, s31;
	v0 =	vsel vm15, $0x2300, v0;
	v1 =	vsel vm15, $0x6300, v1  }
.LBB2_1:
0x11: {  	[tilespmem:s1], [sflag:$0x1] =	stream.linear.gather [hbm4b:s3+s1], $0x200, $0x38;
	[tilespmem:$0x8400] =	vst v63  }
0x12: {  	_ =	swait.ge [sflag:s8], $0x200  }
0x13: {  	[sflag:s8] =	ssyncset.done $0x0  }
0x14: {  	[sflag:s8] =	ssyncadd.s32 $0xFFFFFE00  }
0x15: {  	[tilespmem:s9], [sflag:$0x1] =	stream.linear.gather [hbm4b:s4+s1], $0x200, $0x38;
	[tilespmem:$0x8400] =	vst v63  }
0x16: {  	_ =	swait.ge [sflag:s8], $0x200  }
0x17: {  	s12 =	simm.s32 $0x210;
	[sflag:s8] =	ssyncset.done $0x0  }
0x18: {  	s13 =	simm.s32 $0x10;
	s14 =	simm.s32 $0x0;
	[sflag:s8] =	ssyncadd.s32 $0xFFFFFE00  }
.LBB2_2:
0x19: {  	s15 =	sadd.s32 s14, s6  }
0x1a: {  	[tilespmem:s10], [sflag:$0x1] =	stream.linear.gather [hbm4b:s15+s1], $0x8000, $0x38;
	[tilespmem:$0x8400] =	vst v63  }
0x1b: {  	_ =	swait.ge [sflag:s8], $0x8000  }
0x1c: {  	[sflag:s8] =	ssyncset.done $0x0  }
0x1d: {  	[sflag:s8] =	ssyncadd.s32 $0xFFFF8000  }
0x1e: {  	v2 =	vld [tilespmem:s13+$0xFFFFFFF0];
	_ =	sdelay $0x4  }
0x1f: {  	v3 =	vshll.u32 v2, $0x3  }
0x20: {  	v2 =	vand.u32 $0x7F, v2;
	v3 =	vand.u32 $0xFFFFFC00, v3  }
0x21: {  	v2 =	vor.u32 v2, v3  }
0x22: {  	v3 =	vld [tilespmem:s12+$0xFFFFFFF0];
	v2 =	vadd.s32 v0, v2;
	_ =	sdelay $0x4  }
0x23: {  	[tilespmem:v2+s10+$0x0] =	vst.idx.msk $0xffff, v3  }
0x24: {  	v2 =	vld [tilespmem:s13+$0x0];
	_ =	sdelay $0x4  }
0x25: {  	v3 =	vshll.u32 v2, $0x3  }
0x26: {  	v2 =	vand.u32 $0x7F, v2;
	v3 =	vand.u32 $0xFFFFFC00, v3  }
0x27: {  	v2 =	vor.u32 v2, v3  }
0x28: {  	v3 =	vld [tilespmem:s12+$0x0];
	v2 =	vadd.s32 v1, v2;
	_ =	sdelay $0x3  }
0x29: {  	p0 =	sne.s32 s14, $0xF000  }
.Ltmp0:
0x2a: {  	s31 =	sadd.s32 s14, s7;
	[tilespmem:v2+s10+$0x0] =	vst.idx.msk $0xffff, v3;
	(pc) =	sbr.rel @p0 .LBB2_2-.Ltmp0, $4  }
0x2b: {  	[hbm4b:s31+s1] =	stream.linear.scatter [tilespmem:s10], [sflag:$0x1], $0x8000, $0x38;
	[tilespmem:$0x8400] =	vst v63  }
0x2c: {  	_ =	swait.ge [sflag:s8], $0x8000  }
0x2d: {  	s14 =	sadd.s32 $0x1000, s14;
	[sflag:s8] =	ssyncset.done $0x0  }
0x2e: {  	s13 =	sadd.s32 $0x20, s13;
	s12 =	sadd.s32 $0x20, s12;
	[sflag:s8] =	ssyncadd.s32 $0xFFFF8000  }
0x2f: {  	s11 =	sadd.s32 $0x1, s11  }
0x30: {  	p0 =	sne.s32 s11, s5  }
.Ltmp1:
0x31: {  	_ = 	snop;
	(pc) =	sbr.rel @p0 .LBB2_1-.Ltmp1, $1  }
0x32: {  	_ =	sdelay $0x3  }
0x33: {  	_ =	sfence.sel $0x180000  }
0x34: {  	[bflag:$0x0] =	sbarrier.arrive $0xFFFF  }
0x35: {  	p0 =	sne.s32 s2, $0x0;
	_ =	strace $0x90000047  }
0x36: {  	s0 =	sadd.s32 @!p0 $0x100000, s0;
	[bflag:$0x2] =	sbarrier.arrive $0xFFFF  }
0x37: {  	[sflag:s0] =	ssyncadd.tile.s32 @!p0 $0x1;
	_ =	shalt  }
.Lfunc_end2:
_tile_overlayer_lowered:
.L_overlay_start_2:
0x38: {  	(tag) =	ssettag $0x2  }
0x39: {  	s0 =	rddreg [dreg:$0x0];
	s2 =	stileid.u32  }
0x3a: {  	s1 =	rddreg [dreg:$0x1];
	p0 =	sne.s32 s2, $0x0  }
0x3b: {  	s3 =	rddreg [dreg:$0x2];
	[bflag:$0x3] =	sbarrier.arrive $0xFFFF;
	s2 =	simm.s32 @!p0 $0x1C01  }
0x3c: {  	[timem:s3], [sflag:s2] =	dma.local @!p0 [hbm:s0], s1  }
0x3d: {  	s0 =	simm.s32 @!p0 $0x1  }
0x3e: {  	_ =	swait.ge @!p0 [sflag:s0], s1  }
0x3f: {  	s1 =	ssub.s32 @!p0 $0x0, s1;
	[sflag:s0] =	ssyncset.done @!p0 $0x0  }
0x40: {  	[sflag:s0] =	ssyncadd.s32 @!p0 s1  }
0x41: {  	[bflag:$0x3] =	sbarrier.arrive $0xFFFF  }
0x42: {  	_ =	shalt  }

</sc_bundles>
